<compile_context>
chip_gen: v7x
topology: tpu7x:2x2x1
jax: 0.10.2.dev20260603
libtpu: 0.0.44.dev20260713+nightly
codegen_flags: <defaults>
</compile_context>

<pallas_src>
import functools

import jax
import jax.numpy as jnp
from jax import lax
from jax.experimental import pallas as pl
from jax.experimental.pallas import tpu as pltpu
from jax.experimental.pallas import tpu_sc as plsc

K = 8192
C = 32
NTOK = 8192
TOK_BLK = 1024
K_CHUNK = 1024

NC = 2
NS = 16
NW = NC * NS
BPW = NTOK // NW
LANES = 16


def _argmin_body(xt_ref, cb_ref, idx_ref):
    xb = xt_ref[...]
    x2 = jnp.sum(xb * xb, axis=0, keepdims=True)
    xb_bf = xb.astype(jnp.bfloat16)
    best = jnp.full((1, TOK_BLK), jnp.inf, dtype=jnp.float32)
    bidx = jnp.zeros((1, TOK_BLK), dtype=jnp.int32)
    for j in range(K // K_CHUNK):
        cbc = cb_ref[pl.ds(j * K_CHUNK, K_CHUNK), :]
        c2 = jnp.sum(cbc * cbc, axis=1, keepdims=True)
        mm = lax.dot_general(
            cbc.astype(jnp.bfloat16), xb_bf, (((1,), (0,)), ((), ())),
            preferred_element_type=jnp.float32,
        )
        d2c = jnp.maximum((c2 + x2) - 2.0 * mm, 0.0)
        s = jnp.where(d2c == 0.0, 0.0, d2c * lax.rsqrt(d2c))
        m = jnp.min(s, axis=0, keepdims=True)
        iota = lax.broadcasted_iota(jnp.int32, (K_CHUNK, TOK_BLK), 0) + j * K_CHUNK
        i = jnp.min(jnp.where(s == m, iota, K), axis=0, keepdims=True)
        upd = m < best
        best = jnp.where(upd, m, best)
        bidx = jnp.where(upd, i, bidx)
    idx_ref[0, ...] = bidx


def _tc_argmin(xt, codebook):
    return pl.pallas_call(
        _argmin_body,
        grid=(NTOK // TOK_BLK,),
        in_specs=[
            pl.BlockSpec((C, TOK_BLK), lambda i: (0, i)),
            pl.BlockSpec((K, C), lambda i: (0, 0)),
        ],
        out_specs=pl.BlockSpec((1, 1, TOK_BLK), lambda i: (i, 0, 0)),
        out_shape=jax.ShapeDtypeStruct((NTOK // TOK_BLK, 1, TOK_BLK), jnp.int32),
    )(xt, codebook)


def _gather_body(cb_hbm, idx_hbm, xp_hbm, quant_hbm, part_hbm,
                 idx_v, rows_v, x_v, acc_v, sem):
    wid = lax.axis_index("s") * NC + lax.axis_index("c")
    base = wid * BPW
    pltpu.sync_copy(idx_hbm.at[pl.ds(base, BPW)], idx_v)
    pltpu.async_copy(cb_hbm.at[idx_v], rows_v, sem).wait()
    pltpu.sync_copy(xp_hbm.at[pl.ds(base, BPW)], x_v)

    def body(r, acc):
        d0 = x_v[r, pl.ds(0, LANES)] - rows_v[r, pl.ds(0, LANES)]
        d1 = x_v[r, pl.ds(LANES, LANES)] - rows_v[r, pl.ds(LANES, LANES)]
        return acc + d0 * d0 + d1 * d1

    acc_v[...] = lax.fori_loop(0, BPW, body, jnp.zeros((LANES,), jnp.float32))
    pltpu.sync_copy(rows_v, quant_hbm.at[pl.ds(base, BPW)])
    pltpu.sync_copy(acc_v, part_hbm.at[wid])


@functools.cache
def _sc_gather():
    return pl.kernel(
        _gather_body,
        out_type=(
            jax.ShapeDtypeStruct((NTOK, C), jnp.float32),
            jax.ShapeDtypeStruct((NW, LANES), jnp.float32),
        ),
        mesh=plsc.VectorSubcoreMesh(
            core_axis_name="c", subcore_axis_name="s", num_cores=NC, num_subcores=NS
        ),
        scratch_types=[
            pltpu.VMEM((BPW,), jnp.int32),
            pltpu.VMEM((BPW, C), jnp.float32),
            pltpu.VMEM((BPW, C), jnp.float32),
            pltpu.VMEM((LANES,), jnp.float32),
            pltpu.SemaphoreType.DMA,
        ],
        compiler_params=pltpu.CompilerParams(use_tc_tiling_on_sc=False),
    )


def kernel(x, codebook):
    B, Cc, H, W = x.shape
    xp = jnp.transpose(x, (0, 2, 3, 1)).reshape(B * H * W, Cc)
    xt = jnp.transpose(x, (1, 0, 2, 3)).reshape(Cc, B * H * W)

    idx = _tc_argmin(xt, codebook).reshape(B * H * W)
    quant, partials = _sc_gather()(codebook, idx, xp)

    loss = jnp.sum(partials) / (B * H * W * Cc)
    quant_out = quant.reshape(B, H, W, Cc).transpose(0, 3, 1, 2)
    idx_emb = idx.reshape(B, H * W)
    return quant_out, loss, loss, idx_emb

# --- scband reference (transcript-rebuilt; emitter-appended) ---
"""Pipeline reference for scband-quantizer-6554120093898 (READ-ONLY COPY).

The authoritative reference and input builder live on the scoring server;
editing this copy changes nothing except your own understanding.
"""

import jax, jax.numpy as jnp
import numpy as np


def setup_inputs(seed: int = 0) -> dict:
    key = jax.random.key(seed)
    k1, k2 = jax.random.split(key)
    x = jax.random.normal(k1, (8, 32, 32, 32), dtype=jnp.float32)
    codebook = jax.random.normal(k2, (8192, 32), dtype=jnp.float32)
    return {"x": x, "codebook": codebook}


def reference(x, codebook):
    B, C, H, W = x.shape
    xp = jnp.transpose(x, (0, 2, 3, 1)).reshape(B, H * W, C)
    # torch.cdist (p=2): euclidean distance between tokens and codebook entries
    x2 = jnp.sum(xp ** 2, axis=-1, keepdims=True)
    c2 = jnp.sum(codebook ** 2, axis=-1)
    d2 = x2 + c2[None, None, :] - 2.0 * jnp.einsum('bnc,kc->bnk', xp, codebook)
    dist = jnp.sqrt(jnp.maximum(d2, 0.0))
    idx_emb = jnp.argmin(dist, axis=-1)
    quant = jnp.take(codebook, idx_emb.reshape(-1), axis=0)
    xf = xp.reshape(-1, C)
    loss_embed = jnp.mean((jax.lax.stop_gradient(xf) - quant) ** 2)
    loss_commitment = jnp.mean((xf - jax.lax.stop_gradient(quant)) ** 2)
    quant_out = xf + jax.lax.stop_gradient(quant - xf)
    quant_out = quant_out.reshape(B, H, W, C)
    quant_out = jnp.transpose(quant_out, (0, 3, 1, 2))
    return (quant_out, loss_embed, loss_commitment, idx_emb)

if __name__ == "__main__":
    import jax
    _d = setup_inputs()
    print(jax.jit(kernel)(*tuple(_d.values())))

</pallas_src>

<mosaic_0001>
#map = affine_map<(d0, d1) -> (0, 0)>
#map1 = affine_map<(d0, d1) -> (0)>
module attributes {stable_mosaic.version = 14 : i64} {
  func.func @_gather_body(%arg0: i32, %arg1: i32, %arg2: memref<8192x32xf32, #tpu.memory_space<hbm>>, %arg3: memref<8192xi32, #tpu.memory_space<hbm>>, %arg4: memref<8192x32xf32, #tpu.memory_space<hbm>>, %arg5: memref<8192x32xf32, #tpu.memory_space<hbm>>, %arg6: memref<32x16xf32, #tpu.memory_space<hbm>>, %arg7: memref<256xi32, #tpu.memory_space<vmem>>, %arg8: memref<256x32xf32, #tpu.memory_space<vmem>>, %arg9: memref<256x32xf32, #tpu.memory_space<vmem>>, %arg10: memref<16xf32, #tpu.memory_space<vmem>>, %arg11: memref<!tpu.dma_semaphore, #tpu.memory_space<semaphore_mem>>) attributes {dimension_semantics = [#tpu.dimension_semantics<core_parallel>, #tpu.dimension_semantics<subcore_parallel>], iteration_bounds = array<i64: 2, 16>, scalar_prefetch = 0 : i64, scratch_operands = 5 : i64, tpu.core_type = #tpu.core_type<sc_vector_subcore>, window_params = [{transform_indices = #map}, {transform_indices = #map1}, {transform_indices = #map}, {transform_indices = #map}, {transform_indices = #map}]} {
    %mul3A = arith.constant 2 : i32
    %mul3A_0 = arith.muli %arg1, %mul3A : i32
    %add3A = arith.addi %mul3A_0, %arg0 : i32
    %mul3A_1 = arith.constant 256 : i32
    %mul3A_2 = arith.muli %add3A, %mul3A_1 : i32
    "tpu.region"() ({
      %run_scoped3A = tpu.sem_alloc : memref<!tpu.dma_semaphore, #tpu.memory_space<semaphore_mem>>
      %dma_start3A_16 = tpu.memref_slice %arg3[%mul3A_2] : memref<8192xi32, #tpu.memory_space<hbm>> -> memref<256xi32, #tpu.memory_space<hbm>>
      %dma_start3A_17 = tpu.memref_slice %arg3[%mul3A_2] : memref<8192xi32, #tpu.memory_space<hbm>> -> memref<256xi32, #tpu.memory_space<hbm>>
      tpu.enqueue_dma source(%dma_start3A_17 : memref<256xi32, #tpu.memory_space<hbm>>) target(%arg7 : memref<256xi32, #tpu.memory_space<vmem>>) target_semaphore(%run_scoped3A : memref<!tpu.dma_semaphore, #tpu.memory_space<semaphore_mem>>)
      %dma_wait3A_18 = tpu.memref_slice %arg3[%mul3A_2] : memref<8192xi32, #tpu.memory_space<hbm>> -> memref<256xi32, #tpu.memory_space<hbm>>
      %dma_wait3A_19 = tpu.memref_slice %arg3[%mul3A_2] : memref<8192xi32, #tpu.memory_space<hbm>> -> memref<256xi32, #tpu.memory_space<hbm>>
      tpu.wait_dma2 semaphore(%run_scoped3A : memref<!tpu.dma_semaphore, #tpu.memory_space<semaphore_mem>>) src(%dma_wait3A_19 : memref<256xi32, #tpu.memory_space<hbm>>) dst(%arg7 : memref<256xi32, #tpu.memory_space<vmem>>)
      tpu.yield
    }) : () -> ()
    %dma_start3A = arith.constant 0 : i32
    %dma_start3A_3 = arith.constant 0 : i32
    %dma_start3A_4 = tpu.memref_slice %arg2[%dma_start3A, %dma_start3A_3] : memref<8192x32xf32, #tpu.memory_space<hbm>> -> memref<8192x32xf32, #tpu.memory_space<hbm>>
    tpu.enqueue_indirect_dma source(%dma_start3A_4 : memref<8192x32xf32, #tpu.memory_space<hbm>>) target(%arg8 : memref<256x32xf32, #tpu.memory_space<vmem>>) offsets(%arg7 : memref<256xi32, #tpu.memory_space<vmem>>) semaphore(%arg11 : memref<!tpu.dma_semaphore, #tpu.memory_space<semaphore_mem>>)
    %dma_wait3A = arith.constant 0 : i32
    %dma_wait3A_5 = arith.constant 0 : i32
    %dma_wait3A_6 = tpu.memref_slice %arg2[%dma_wait3A, %dma_wait3A_5] : memref<8192x32xf32, #tpu.memory_space<hbm>> -> memref<8192x32xf32, #tpu.memory_space<hbm>>
    tpu.wait_indirect_dma semaphore(%arg11 : memref<!tpu.dma_semaphore, #tpu.memory_space<semaphore_mem>>) src(%dma_wait3A_6 : memref<8192x32xf32, #tpu.memory_space<hbm>>) dst(%arg8 : memref<256x32xf32, #tpu.memory_space<vmem>>)
    "tpu.region"() ({
      %run_scoped3A = tpu.sem_alloc : memref<!tpu.dma_semaphore, #tpu.memory_space<semaphore_mem>>
      %dma_start3A_16 = arith.constant 0 : i32
      %dma_start3A_17 = tpu.memref_slice %arg4[%mul3A_2, %dma_start3A_16] : memref<8192x32xf32, #tpu.memory_space<hbm>> -> memref<256x32xf32, #tpu.memory_space<hbm>>
      %dma_start3A_18 = arith.constant 0 : i32
      %dma_start3A_19 = tpu.memref_slice %arg4[%mul3A_2, %dma_start3A_18] : memref<8192x32xf32, #tpu.memory_space<hbm>> -> memref<256x32xf32, #tpu.memory_space<hbm>>
      tpu.enqueue_dma source(%dma_start3A_19 : memref<256x32xf32, #tpu.memory_space<hbm>>) target(%arg9 : memref<256x32xf32, #tpu.memory_space<vmem>>) target_semaphore(%run_scoped3A : memref<!tpu.dma_semaphore, #tpu.memory_space<semaphore_mem>>)
      %dma_wait3A_20 = arith.constant 0 : i32
      %dma_wait3A_21 = tpu.memref_slice %arg4[%mul3A_2, %dma_wait3A_20] : memref<8192x32xf32, #tpu.memory_space<hbm>> -> memref<256x32xf32, #tpu.memory_space<hbm>>
      %dma_wait3A_22 = arith.constant 0 : i32
      %dma_wait3A_23 = tpu.memref_slice %arg4[%mul3A_2, %dma_wait3A_22] : memref<8192x32xf32, #tpu.memory_space<hbm>> -> memref<256x32xf32, #tpu.memory_space<hbm>>
      tpu.wait_dma2 semaphore(%run_scoped3A : memref<!tpu.dma_semaphore, #tpu.memory_space<semaphore_mem>>) src(%dma_wait3A_23 : memref<256x32xf32, #tpu.memory_space<hbm>>) dst(%arg9 : memref<256x32xf32, #tpu.memory_space<vmem>>)
      tpu.yield
    }) : () -> ()
    %broadcast_in_dim3A = arith.constant 0.000000e+00 : f32
    %broadcast_in_dim3A_7 = vector.broadcast %broadcast_in_dim3A : f32 to vector<16xf32>
    %scan3A = arith.constant 0 : i32
    %scan3A_8 = arith.constant 256 : i32
    %scan3A_9 = arith.addi %scan3A, %scan3A_8 : i32
    %scan3A_10 = arith.constant 1 : i32
    %scan3A_11 = scf.for %scan3A_16 = %scan3A to %scan3A_9 step %scan3A_10 iter_args(%scan3A_17 = %broadcast_in_dim3A_7) -> (vector<16xf32>)  : i32 {
      %get3A = arith.index_cast %scan3A_16 : i32 to index
      %get3A_18 = arith.constant 0 : index
      %get3A_19 = tpu.vector_load %arg9[%get3A, %get3A_18] {strides = array<i32>} : memref<256x32xf32, #tpu.memory_space<vmem>>, vector<1x16xf32>,
      %get3A_20 = vector.shape_cast %get3A_19 : vector<1x16xf32> to vector<16xf32>
      %get3A_21 = arith.index_cast %scan3A_16 : i32 to index
      %get3A_22 = arith.constant 0 : index
      %get3A_23 = tpu.vector_load %arg8[%get3A_21, %get3A_22] {strides = array<i32>} : memref<256x32xf32, #tpu.memory_space<vmem>>, vector<1x16xf32>,
      %get3A_24 = vector.shape_cast %get3A_23 : vector<1x16xf32> to vector<16xf32>
      %sub3A = arith.subf %get3A_20, %get3A_24 : vector<16xf32>
      %get3A_25 = arith.index_cast %scan3A_16 : i32 to index
      %get3A_26 = arith.constant 16 : index
      %get3A_27 = tpu.vector_load %arg9[%get3A_25, %get3A_26] {strides = array<i32>} : memref<256x32xf32, #tpu.memory_space<vmem>>, vector<1x16xf32>,
      %get3A_28 = vector.shape_cast %get3A_27 : vector<1x16xf32> to vector<16xf32>
      %get3A_29 = arith.index_cast %scan3A_16 : i32 to index
      %get3A_30 = arith.constant 16 : index
      %get3A_31 = tpu.vector_load %arg8[%get3A_29, %get3A_30] {strides = array<i32>} : memref<256x32xf32, #tpu.memory_space<vmem>>, vector<1x16xf32>,
      %get3A_32 = vector.shape_cast %get3A_31 : vector<1x16xf32> to vector<16xf32>
      %sub3A_33 = arith.subf %get3A_28, %get3A_32 : vector<16xf32>
      %mul3A_34 = arith.mulf %sub3A, %sub3A : vector<16xf32>
      %add3A_35 = arith.addf %scan3A_17, %mul3A_34 : vector<16xf32>
      %mul3A_36 = arith.mulf %sub3A_33, %sub3A_33 : vector<16xf32>
      %add3A_37 = arith.addf %add3A_35, %mul3A_36 : vector<16xf32>
      scf.yield %add3A_37 : vector<16xf32>
    }
    %scan3A_12 = arith.constant 256 : i32
    %swap3A = arith.constant 0 : index
    %swap3A_13 = tpu.vector_load %arg10[%swap3A] {strides = array<i32>} : memref<16xf32, #tpu.memory_space<vmem>>, vector<16xf32>,
    %swap3A_14 = vector.shape_cast %swap3A_13 : vector<16xf32> to vector<16xf32>
    %swap3A_15 = vector.shape_cast %scan3A_11 : vector<16xf32> to vector<16xf32>
    tpu.vector_store %arg10[%swap3A], %swap3A_15 {strides = array<i32>} : memref<16xf32, #tpu.memory_space<vmem>>, vector<16xf32>,
    "tpu.region"() ({
      %run_scoped3A = tpu.sem_alloc : memref<!tpu.dma_semaphore, #tpu.memory_space<semaphore_mem>>
      %dma_start3A_16 = arith.constant 0 : i32
      %dma_start3A_17 = tpu.memref_slice %arg5[%mul3A_2, %dma_start3A_16] : memref<8192x32xf32, #tpu.memory_space<hbm>> -> memref<256x32xf32, #tpu.memory_space<hbm>>
      %dma_start3A_18 = arith.constant 0 : i32
      %dma_start3A_19 = tpu.memref_slice %arg5[%mul3A_2, %dma_start3A_18] : memref<8192x32xf32, #tpu.memory_space<hbm>> -> memref<256x32xf32, #tpu.memory_space<hbm>>
      tpu.enqueue_dma source(%arg8 : memref<256x32xf32, #tpu.memory_space<vmem>>) target(%dma_start3A_19 : memref<256x32xf32, #tpu.memory_space<hbm>>) target_semaphore(%run_scoped3A : memref<!tpu.dma_semaphore, #tpu.memory_space<semaphore_mem>>)
      %dma_wait3A_20 = arith.constant 0 : i32
      %dma_wait3A_21 = tpu.memref_slice %arg5[%mul3A_2, %dma_wait3A_20] : memref<8192x32xf32, #tpu.memory_space<hbm>> -> memref<256x32xf32, #tpu.memory_space<hbm>>
      %dma_wait3A_22 = arith.constant 0 : i32
      %dma_wait3A_23 = tpu.memref_slice %arg5[%mul3A_2, %dma_wait3A_22] : memref<8192x32xf32, #tpu.memory_space<hbm>> -> memref<256x32xf32, #tpu.memory_space<hbm>>
      tpu.wait_dma2 semaphore(%run_scoped3A : memref<!tpu.dma_semaphore, #tpu.memory_space<semaphore_mem>>) src(%arg8 : memref<256x32xf32, #tpu.memory_space<vmem>>) dst(%dma_wait3A_23 : memref<256x32xf32, #tpu.memory_space<hbm>>)
      tpu.yield
    }) : () -> ()
    "tpu.region"() ({
      %run_scoped3A = tpu.sem_alloc : memref<!tpu.dma_semaphore, #tpu.memory_space<semaphore_mem>>
      %dma_start3A_16 = arith.constant 0 : i32
      %dma_start3A_17 = tpu.memref_slice %arg6[%add3A, %dma_start3A_16] : memref<32x16xf32, #tpu.memory_space<hbm>> -> memref<1x16xf32, #tpu.memory_space<hbm>>
      %dma_start3A_18 = tpu.memref_squeeze %dma_start3A_17 : memref<1x16xf32, #tpu.memory_space<hbm>> -> memref<16xf32, #tpu.memory_space<hbm>>
      %dma_start3A_19 = arith.constant 0 : i32
      %dma_start3A_20 = tpu.memref_slice %arg6[%add3A, %dma_start3A_19] : memref<32x16xf32, #tpu.memory_space<hbm>> -> memref<1x16xf32, #tpu.memory_space<hbm>>
      %dma_start3A_21 = tpu.memref_squeeze %dma_start3A_20 : memref<1x16xf32, #tpu.memory_space<hbm>> -> memref<16xf32, #tpu.memory_space<hbm>>
      tpu.enqueue_dma source(%arg10 : memref<16xf32, #tpu.memory_space<vmem>>) target(%dma_start3A_21 : memref<16xf32, #tpu.memory_space<hbm>>) target_semaphore(%run_scoped3A : memref<!tpu.dma_semaphore, #tpu.memory_space<semaphore_mem>>)
      %dma_wait3A_22 = arith.constant 0 : i32
      %dma_wait3A_23 = tpu.memref_slice %arg6[%add3A, %dma_wait3A_22] : memref<32x16xf32, #tpu.memory_space<hbm>> -> memref<1x16xf32, #tpu.memory_space<hbm>>
      %dma_wait3A_24 = tpu.memref_squeeze %dma_wait3A_23 : memref<1x16xf32, #tpu.memory_space<hbm>> -> memref<16xf32, #tpu.memory_space<hbm>>
      %dma_wait3A_25 = arith.constant 0 : i32
      %dma_wait3A_26 = tpu.memref_slice %arg6[%add3A, %dma_wait3A_25] : memref<32x16xf32, #tpu.memory_space<hbm>> -> memref<1x16xf32, #tpu.memory_space<hbm>>
      %dma_wait3A_27 = tpu.memref_squeeze %dma_wait3A_26 : memref<1x16xf32, #tpu.memory_space<hbm>> -> memref<16xf32, #tpu.memory_space<hbm>>
      tpu.wait_dma2 semaphore(%run_scoped3A : memref<!tpu.dma_semaphore, #tpu.memory_space<semaphore_mem>>) src(%arg10 : memref<16xf32, #tpu.memory_space<vmem>>) dst(%dma_wait3A_27 : memref<16xf32, #tpu.memory_space<hbm>>)
      tpu.yield
    }) : () -> ()
    return
  }
}

module attributes {stable_mosaic.version = 14 : i64} {
  func.func @_argmin_body(%arg0: i32, %arg1: memref<32x1024xf32, #tpu.memory_space<vmem>>, %arg2: memref<8192x32xf32, #tpu.memory_space<vmem>>, %arg3: memref<1x1x1024xi32, #tpu.memory_space<vmem>>) attributes {dimension_semantics = [#tpu.dimension_semantics<arbitrary>], iteration_bounds = array<i64: 8>, scalar_prefetch = 0 : i64, scratch_operands = 0 : i64, tpu.core_type = #tpu.core_type<tc>, window_params = [{transform_indices = @transform_0, window_bounds = array<i64: 32, 1024>}, {pipeline_mode = #tpu.pipeline_mode<synchronous>, transform_indices = @transform_1, window_bounds = array<i64: 8192, 32>}, {transform_indices = @transform_2, window_bounds = array<i64: 1, 1, 1024>}]} {
    %get3A = arith.constant 0 : index
    %get3A_0 = arith.constant 0 : index
    %get3A_1 = vector.load %arg1[%get3A, %get3A_0] : memref<32x1024xf32, #tpu.memory_space<vmem>>, vector<32x1024xf32>
    %mul3A = arith.mulf %get3A_1, %get3A_1 : vector<32x1024xf32>
    %reduce_sum3A = arith.constant dense<0.000000e+00> : vector<1024xf32>
    %reduce_sum3A_2 = vector.multi_reduction <add>, %mul3A, %reduce_sum3A [0] : vector<32x1024xf32> to vector<1024xf32>
    %broadcast_in_dim3A = vector.shape_cast %reduce_sum3A_2 : vector<1024xf32> to vector<1x1024xf32>
    %convert_element_type3A = arith.truncf %get3A_1 : vector<32x1024xf32> to vector<32x1024xbf16>
    %broadcast_in_dim3A_3 = arith.constant 0x7F800000 : f32
    %broadcast_in_dim3A_4 = vector.broadcast %broadcast_in_dim3A_3 : f32 to vector<1x1024xf32>
    %broadcast_in_dim3A_5 = arith.constant 0 : i32
    %broadcast_in_dim3A_6 = vector.broadcast %broadcast_in_dim3A_5 : i32 to vector<1x1024xi32>
    %get3A_7 = arith.constant 0 : index
    %get3A_8 = arith.constant 0 : index
    %get3A_9 = vector.load %arg2[%get3A_7, %get3A_8] : memref<8192x32xf32, #tpu.memory_space<vmem>>, vector<1024x32xf32>
    %mul3A_10 = arith.mulf %get3A_9, %get3A_9 : vector<1024x32xf32>
    %reduce_sum3A_11 = arith.constant dense<0.000000e+00> : vector<1024xf32>
    %reduce_sum3A_12 = vector.multi_reduction <add>, %mul3A_10, %reduce_sum3A_11 [1] : vector<1024x32xf32> to vector<1024xf32>
    %broadcast_in_dim3A_13 = vector.shape_cast %reduce_sum3A_12 : vector<1024xf32> to vector<1024x1xf32>
    %convert_element_type3A_14 = arith.truncf %get3A_9 : vector<1024x32xf32> to vector<1024x32xbf16>
    %dot_general3A = arith.constant dense<0.000000e+00> : vector<1024x1024xf32>
    %dot_general3A_15 = tpu.matmul %convert_element_type3A_14, %convert_element_type3A, %dot_general3A {dimension_numbers = #tpu.dot_dimension_numbers<[1], [0], [0], [1], [0, 0, 1, 1], [], []>, transpose_lhs_hint = false} : vector<1024x32xbf16>, vector<32x1024xbf16>, vector<1024x1024xf32> -> vector<1024x1024xf32>
    %add3A = vector.broadcast %broadcast_in_dim3A_13 : vector<1024x1xf32> to vector<1024x1024xf32>
    %add3A_16 = vector.broadcast %broadcast_in_dim3A : vector<1x1024xf32> to vector<1024x1024xf32>
    %add3A_17 = arith.addf %add3A, %add3A_16 : vector<1024x1024xf32>
    %mul3A_18 = arith.constant 2.000000e+00 : f32
    %mul3A_19 = vector.broadcast %mul3A_18 : f32 to vector<1024x1024xf32>
    %mul3A_20 = arith.mulf %mul3A_19, %dot_general3A_15 : vector<1024x1024xf32>
    %sub3A = arith.subf %add3A_17, %mul3A_20 : vector<1024x1024xf32>
    %max3A = arith.constant 0.000000e+00 : f32
    %max3A_21 = vector.broadcast %max3A : f32 to vector<1024x1024xf32>
    %max3A_22 = arith.maximumf %sub3A, %max3A_21 : vector<1024x1024xf32>
    %eq3A = arith.constant 0.000000e+00 : f32
    %eq3A_23 = vector.broadcast %eq3A : f32 to vector<1024x1024xf32>
    %eq3A_24 = arith.cmpf oeq, %max3A_22, %eq3A_23 : vector<1024x1024xf32>
    %rsqrt3A = math.rsqrt %max3A_22 : vector<1024x1024xf32>
    %mul3A_25 = arith.mulf %max3A_22, %rsqrt3A : vector<1024x1024xf32>
    %jit3A = arith.constant 0.000000e+00 : f32
    %broadcast_in_dim3A_26 = vector.broadcast %jit3A : f32 to vector<1024x1024xf32>
    %select_n3A = arith.select %eq3A_24, %broadcast_in_dim3A_26, %mul3A_25 : vector<1024x1024xi1>, vector<1024x1024xf32>
    %reduce_min3A = arith.constant dense<0x7F800000> : vector<1024xf32>
    %reduce_min3A_27 = vector.multi_reduction <minimumf>, %select_n3A, %reduce_min3A [0] : vector<1024x1024xf32> to vector<1024xf32>
    %broadcast_in_dim3A_28 = vector.shape_cast %reduce_min3A_27 : vector<1024xf32> to vector<1x1024xf32>
    %iota3A = tpu.iota {dimensions = array<i32: 0>} : vector<1024x1024xi32>
    %add3A_29 = arith.constant 0 : i32
    %add3A_30 = vector.broadcast %add3A_29 : i32 to vector<1024x1024xi32>
    %add3A_31 = arith.addi %iota3A, %add3A_30 : vector<1024x1024xi32>
    %eq3A_32 = vector.broadcast %broadcast_in_dim3A_28 : vector<1x1024xf32> to vector<1024x1024xf32>
    %eq3A_33 = arith.cmpf oeq, %select_n3A, %eq3A_32 : vector<1024x1024xf32>
    %jit3A_34 = arith.constant 8192 : i32
    %broadcast_in_dim3A_35 = vector.broadcast %jit3A_34 : i32 to vector<1024x1024xi32>
    %select_n3A_36 = arith.select %eq3A_33, %add3A_31, %broadcast_in_dim3A_35 : vector<1024x1024xi1>, vector<1024x1024xi32>
    %reduce_min3A_37 = arith.constant dense<2147483647> : vector<1024xi32>
    %reduce_min3A_38 = vector.multi_reduction <minsi>, %select_n3A_36, %reduce_min3A_37 [0] : vector<1024x1024xi32> to vector<1024xi32>
    %broadcast_in_dim3A_39 = vector.shape_cast %reduce_min3A_38 : vector<1024xi32> to vector<1x1024xi32>
    %lt3A = arith.cmpf olt, %broadcast_in_dim3A_28, %broadcast_in_dim3A_4 : vector<1x1024xf32>
    %select_n3A_40 = arith.select %lt3A, %broadcast_in_dim3A_28, %broadcast_in_dim3A_4 : vector<1x1024xi1>, vector<1x1024xf32>
    %select_n3A_41 = arith.select %lt3A, %broadcast_in_dim3A_39, %broadcast_in_dim3A_6 : vector<1x1024xi1>, vector<1x1024xi32>
    %get3A_42 = arith.constant 1024 : index
    %get3A_43 = arith.constant 0 : index
    %get3A_44 = vector.load %arg2[%get3A_42, %get3A_43] : memref<8192x32xf32, #tpu.memory_space<vmem>>, vector<1024x32xf32>
    %mul3A_45 = arith.mulf %get3A_44, %get3A_44 : vector<1024x32xf32>
    %reduce_sum3A_46 = arith.constant dense<0.000000e+00> : vector<1024xf32>
    %reduce_sum3A_47 = vector.multi_reduction <add>, %mul3A_45, %reduce_sum3A_46 [1] : vector<1024x32xf32> to vector<1024xf32>
    %broadcast_in_dim3A_48 = vector.shape_cast %reduce_sum3A_47 : vector<1024xf32> to vector<1024x1xf32>
    %convert_element_type3A_49 = arith.truncf %get3A_44 : vector<1024x32xf32> to vector<1024x32xbf16>
    %dot_general3A_50 = arith.constant dense<0.000000e+00> : vector<1024x1024xf32>
    %dot_general3A_51 = tpu.matmul %convert_element_type3A_49, %convert_element_type3A, %dot_general3A_50 {dimension_numbers = #tpu.dot_dimension_numbers<[1], [0], [0], [1], [0, 0, 1, 1], [], []>, transpose_lhs_hint = false} : vector<1024x32xbf16>, vector<32x1024xbf16>, vector<1024x1024xf32> -> vector<1024x1024xf32>
    %add3A_52 = vector.broadcast %broadcast_in_dim3A_48 : vector<1024x1xf32> to vector<1024x1024xf32>
    %add3A_53 = vector.broadcast %broadcast_in_dim3A : vector<1x1024xf32> to vector<1024x1024xf32>
    %add3A_54 = arith.addf %add3A_52, %add3A_53 : vector<1024x1024xf32>
    %mul3A_55 = arith.constant 2.000000e+00 : f32
    %mul3A_56 = vector.broadcast %mul3A_55 : f32 to vector<1024x1024xf32>
    %mul3A_57 = arith.mulf %mul3A_56, %dot_general3A_51 : vector<1024x1024xf32>
    %sub3A_58 = arith.subf %add3A_54, %mul3A_57 : vector<1024x1024xf32>
    %max3A_59 = arith.constant 0.000000e+00 : f32
    %max3A_60 = vector.broadcast %max3A_59 : f32 to vector<1024x1024xf32>
    %max3A_61 = arith.maximumf %sub3A_58, %max3A_60 : vector<1024x1024xf32>
    %eq3A_62 = arith.constant 0.000000e+00 : f32
    %eq3A_63 = vector.broadcast %eq3A_62 : f32 to vector<1024x1024xf32>
    %eq3A_64 = arith.cmpf oeq, %max3A_61, %eq3A_63 : vector<1024x1024xf32>
    %rsqrt3A_65 = math.rsqrt %max3A_61 : vector<1024x1024xf32>
    %mul3A_66 = arith.mulf %max3A_61, %rsqrt3A_65 : vector<1024x1024xf32>
    %jit3A_67 = arith.constant 0.000000e+00 : f32
    %broadcast_in_dim3A_68 = vector.broadcast %jit3A_67 : f32 to vector<1024x1024xf32>
    %select_n3A_69 = arith.select %eq3A_64, %broadcast_in_dim3A_68, %mul3A_66 : vector<1024x1024xi1>, vector<1024x1024xf32>
    %reduce_min3A_70 = arith.constant dense<0x7F800000> : vector<1024xf32>
    %reduce_min3A_71 = vector.multi_reduction <minimumf>, %select_n3A_69, %reduce_min3A_70 [0] : vector<1024x1024xf32> to vector<1024xf32>
    %broadcast_in_dim3A_72 = vector.shape_cast %reduce_min3A_71 : vector<1024xf32> to vector<1x1024xf32>
    %iota3A_73 = tpu.iota {dimensions = array<i32: 0>} : vector<1024x1024xi32>
    %add3A_74 = arith.constant 1024 : i32
    %add3A_75 = vector.broadcast %add3A_74 : i32 to vector<1024x1024xi32>
    %add3A_76 = arith.addi %iota3A_73, %add3A_75 : vector<1024x1024xi32>
    %eq3A_77 = vector.broadcast %broadcast_in_dim3A_72 : vector<1x1024xf32> to vector<1024x1024xf32>
    %eq3A_78 = arith.cmpf oeq, %select_n3A_69, %eq3A_77 : vector<1024x1024xf32>
    %jit3A_79 = arith.constant 8192 : i32
    %broadcast_in_dim3A_80 = vector.broadcast %jit3A_79 : i32 to vector<1024x1024xi32>
    %select_n3A_81 = arith.select %eq3A_78, %add3A_76, %broadcast_in_dim3A_80 : vector<1024x1024xi1>, vector<1024x1024xi32>
    %reduce_min3A_82 = arith.constant dense<2147483647> : vector<1024xi32>
    %reduce_min3A_83 = vector.multi_reduction <minsi>, %select_n3A_81, %reduce_min3A_82 [0] : vector<1024x1024xi32> to vector<1024xi32>
    %broadcast_in_dim3A_84 = vector.shape_cast %reduce_min3A_83 : vector<1024xi32> to vector<1x1024xi32>
    %lt3A_85 = arith.cmpf olt, %broadcast_in_dim3A_72, %select_n3A_40 : vector<1x1024xf32>
    %select_n3A_86 = arith.select %lt3A_85, %broadcast_in_dim3A_72, %select_n3A_40 : vector<1x1024xi1>, vector<1x1024xf32>
    %select_n3A_87 = arith.select %lt3A_85, %broadcast_in_dim3A_84, %select_n3A_41 : vector<1x1024xi1>, vector<1x1024xi32>
    %get3A_88 = arith.constant 2048 : index
    %get3A_89 = arith.constant 0 : index
    %get3A_90 = vector.load %arg2[%get3A_88, %get3A_89] : memref<8192x32xf32, #tpu.memory_space<vmem>>, vector<1024x32xf32>
    %mul3A_91 = arith.mulf %get3A_90, %get3A_90 : vector<1024x32xf32>
    %reduce_sum3A_92 = arith.constant dense<0.000000e+00> : vector<1024xf32>
    %reduce_sum3A_93 = vector.multi_reduction <add>, %mul3A_91, %reduce_sum3A_92 [1] : vector<1024x32xf32> to vector<1024xf32>
    %broadcast_in_dim3A_94 = vector.shape_cast %reduce_sum3A_93 : vector<1024xf32> to vector<1024x1xf32>
    %convert_element_type3A_95 = arith.truncf %get3A_90 : vector<1024x32xf32> to vector<1024x32xbf16>
    %dot_general3A_96 = arith.constant dense<0.000000e+00> : vector<1024x1024xf32>
    %dot_general3A_97 = tpu.matmul %convert_element_type3A_95, %convert_element_type3A, %dot_general3A_96 {dimension_numbers = #tpu.dot_dimension_numbers<[1], [0], [0], [1], [0, 0, 1, 1], [], []>, transpose_lhs_hint = false} : vector<1024x32xbf16>, vector<32x1024xbf16>, vector<1024x1024xf32> -> vector<1024x1024xf32>
    %add3A_98 = vector.broadcast %broadcast_in_dim3A_94 : vector<1024x1xf32> to vector<1024x1024xf32>
    %add3A_99 = vector.broadcast %broadcast_in_dim3A : vector<1x1024xf32> to vector<1024x1024xf32>
    %add3A_100 = arith.addf %add3A_98, %add3A_99 : vector<1024x1024xf32>
    %mul3A_101 = arith.constant 2.000000e+00 : f32
    %mul3A_102 = vector.broadcast %mul3A_101 : f32 to vector<1024x1024xf32>
    %mul3A_103 = arith.mulf %mul3A_102, %dot_general3A_97 : vector<1024x1024xf32>
    %sub3A_104 = arith.subf %add3A_100, %mul3A_103 : vector<1024x1024xf32>
    %max3A_105 = arith.constant 0.000000e+00 : f32
    %max3A_106 = vector.broadcast %max3A_105 : f32 to vector<1024x1024xf32>
    %max3A_107 = arith.maximumf %sub3A_104, %max3A_106 : vector<1024x1024xf32>
    %eq3A_108 = arith.constant 0.000000e+00 : f32
    %eq3A_109 = vector.broadcast %eq3A_108 : f32 to vector<1024x1024xf32>
    %eq3A_110 = arith.cmpf oeq, %max3A_107, %eq3A_109 : vector<1024x1024xf32>
    %rsqrt3A_111 = math.rsqrt %max3A_107 : vector<1024x1024xf32>
    %mul3A_112 = arith.mulf %max3A_107, %rsqrt3A_111 : vector<1024x1024xf32>
    %jit3A_113 = arith.constant 0.000000e+00 : f32
    %broadcast_in_dim3A_114 = vector.broadcast %jit3A_113 : f32 to vector<1024x1024xf32>
    %select_n3A_115 = arith.select %eq3A_110, %broadcast_in_dim3A_114, %mul3A_112 : vector<1024x1024xi1>, vector<1024x1024xf32>
    %reduce_min3A_116 = arith.constant dense<0x7F800000> : vector<1024xf32>
    %reduce_min3A_117 = vector.multi_reduction <minimumf>, %select_n3A_115, %reduce_min3A_116 [0] : vector<1024x1024xf32> to vector<1024xf32>
    %broadcast_in_dim3A_118 = vector.shape_cast %reduce_min3A_117 : vector<1024xf32> to vector<1x1024xf32>
    %iota3A_119 = tpu.iota {dimensions = array<i32: 0>} : vector<1024x1024xi32>
    %add3A_120 = arith.constant 2048 : i32
    %add3A_121 = vector.broadcast %add3A_120 : i32 to vector<1024x1024xi32>
    %add3A_122 = arith.addi %iota3A_119, %add3A_121 : vector<1024x1024xi32>
    %eq3A_123 = vector.broadcast %broadcast_in_dim3A_118 : vector<1x1024xf32> to vector<1024x1024xf32>
    %eq3A_124 = arith.cmpf oeq, %select_n3A_115, %eq3A_123 : vector<1024x1024xf32>
    %jit3A_125 = arith.constant 8192 : i32
    %broadcast_in_dim3A_126 = vector.broadcast %jit3A_125 : i32 to vector<1024x1024xi32>
    %select_n3A_127 = arith.select %eq3A_124, %add3A_122, %broadcast_in_dim3A_126 : vector<1024x1024xi1>, vector<1024x1024xi32>
    %reduce_min3A_128 = arith.constant dense<2147483647> : vector<1024xi32>
    %reduce_min3A_129 = vector.multi_reduction <minsi>, %select_n3A_127, %reduce_min3A_128 [0] : vector<1024x1024xi32> to vector<1024xi32>
    %broadcast_in_dim3A_130 = vector.shape_cast %reduce_min3A_129 : vector<1024xi32> to vector<1x1024xi32>
    %lt3A_131 = arith.cmpf olt, %broadcast_in_dim3A_118, %select_n3A_86 : vector<1x1024xf32>
    %select_n3A_132 = arith.select %lt3A_131, %broadcast_in_dim3A_118, %select_n3A_86 : vector<1x1024xi1>, vector<1x1024xf32>
    %select_n3A_133 = arith.select %lt3A_131, %broadcast_in_dim3A_130, %select_n3A_87 : vector<1x1024xi1>, vector<1x1024xi32>
    %get3A_134 = arith.constant 3072 : index
    %get3A_135 = arith.constant 0 : index
    %get3A_136 = vector.load %arg2[%get3A_134, %get3A_135] : memref<8192x32xf32, #tpu.memory_space<vmem>>, vector<1024x32xf32>
    %mul3A_137 = arith.mulf %get3A_136, %get3A_136 : vector<1024x32xf32>
    %reduce_sum3A_138 = arith.constant dense<0.000000e+00> : vector<1024xf32>
    %reduce_sum3A_139 = vector.multi_reduction <add>, %mul3A_137, %reduce_sum3A_138 [1] : vector<1024x32xf32> to vector<1024xf32>
    %broadcast_in_dim3A_140 = vector.shape_cast %reduce_sum3A_139 : vector<1024xf32> to vector<1024x1xf32>
    %convert_element_type3A_141 = arith.truncf %get3A_136 : vector<1024x32xf32> to vector<1024x32xbf16>
    %dot_general3A_142 = arith.constant dense<0.000000e+00> : vector<1024x1024xf32>
    %dot_general3A_143 = tpu.matmul %convert_element_type3A_141, %convert_element_type3A, %dot_general3A_142 {dimension_numbers = #tpu.dot_dimension_numbers<[1], [0], [0], [1], [0, 0, 1, 1], [], []>, transpose_lhs_hint = false} : vector<1024x32xbf16>, vector<32x1024xbf16>, vector<1024x1024xf32> -> vector<1024x1024xf32>
    %add3A_144 = vector.broadcast %broadcast_in_dim3A_140 : vector<1024x1xf32> to vector<1024x1024xf32>
    %add3A_145 = vector.broadcast %broadcast_in_dim3A : vector<1x1024xf32> to vector<1024x1024xf32>
    %add3A_146 = arith.addf %add3A_144, %add3A_145 : vector<1024x1024xf32>
    %mul3A_147 = arith.constant 2.000000e+00 : f32
    %mul3A_148 = vector.broadcast %mul3A_147 : f32 to vector<1024x1024xf32>
    %mul3A_149 = arith.mulf %mul3A_148, %dot_general3A_143 : vector<1024x1024xf32>
    %sub3A_150 = arith.subf %add3A_146, %mul3A_149 : vector<1024x1024xf32>
    %max3A_151 = arith.constant 0.000000e+00 : f32
    %max3A_152 = vector.broadcast %max3A_151 : f32 to vector<1024x1024xf32>
    %max3A_153 = arith.maximumf %sub3A_150, %max3A_152 : vector<1024x1024xf32>
    %eq3A_154 = arith.constant 0.000000e+00 : f32
    %eq3A_155 = vector.broadcast %eq3A_154 : f32 to vector<1024x1024xf32>
    %eq3A_156 = arith.cmpf oeq, %max3A_153, %eq3A_155 : vector<1024x1024xf32>
    %rsqrt3A_157 = math.rsqrt %max3A_153 : vector<1024x1024xf32>
    %mul3A_158 = arith.mulf %max3A_153, %rsqrt3A_157 : vector<1024x1024xf32>
    %jit3A_159 = arith.constant 0.000000e+00 : f32
    %broadcast_in_dim3A_160 = vector.broadcast %jit3A_159 : f32 to vector<1024x1024xf32>
    %select_n3A_161 = arith.select %eq3A_156, %broadcast_in_dim3A_160, %mul3A_158 : vector<1024x1024xi1>, vector<1024x1024xf32>
    %reduce_min3A_162 = arith.constant dense<0x7F800000> : vector<1024xf32>
    %reduce_min3A_163 = vector.multi_reduction <minimumf>, %select_n3A_161, %reduce_min3A_162 [0] : vector<1024x1024xf32> to vector<1024xf32>
    %broadcast_in_dim3A_164 = vector.shape_cast %reduce_min3A_163 : vector<1024xf32> to vector<1x1024xf32>
    %iota3A_165 = tpu.iota {dimensions = array<i32: 0>} : vector<1024x1024xi32>
    %add3A_166 = arith.constant 3072 : i32
    %add3A_167 = vector.broadcast %add3A_166 : i32 to vector<1024x1024xi32>
    %add3A_168 = arith.addi %iota3A_165, %add3A_167 : vector<1024x1024xi32>
    %eq3A_169 = vector.broadcast %broadcast_in_dim3A_164 : vector<1x1024xf32> to vector<1024x1024xf32>
    %eq3A_170 = arith.cmpf oeq, %select_n3A_161, %eq3A_169 : vector<1024x1024xf32>
    %jit3A_171 = arith.constant 8192 : i32
    %broadcast_in_dim3A_172 = vector.broadcast %jit3A_171 : i32 to vector<1024x1024xi32>
    %select_n3A_173 = arith.select %eq3A_170, %add3A_168, %broadcast_in_dim3A_172 : vector<1024x1024xi1>, vector<1024x1024xi32>
    %reduce_min3A_174 = arith.constant dense<2147483647> : vector<1024xi32>
    %reduce_min3A_175 = vector.multi_reduction <minsi>, %select_n3A_173, %reduce_min3A_174 [0] : vector<1024x1024xi32> to vector<1024xi32>
    %broadcast_in_dim3A_176 = vector.shape_cast %reduce_min3A_175 : vector<1024xi32> to vector<1x1024xi32>
    %lt3A_177 = arith.cmpf olt, %broadcast_in_dim3A_164, %select_n3A_132 : vector<1x1024xf32>
    %select_n3A_178 = arith.select %lt3A_177, %broadcast_in_dim3A_164, %select_n3A_132 : vector<1x1024xi1>, vector<1x1024xf32>
    %select_n3A_179 = arith.select %lt3A_177, %broadcast_in_dim3A_176, %select_n3A_133 : vector<1x1024xi1>, vector<1x1024xi32>
    %get3A_180 = arith.constant 4096 : index
    %get3A_181 = arith.constant 0 : index
    %get3A_182 = vector.load %arg2[%get3A_180, %get3A_181] : memref<8192x32xf32, #tpu.memory_space<vmem>>, vector<1024x32xf32>
    %mul3A_183 = arith.mulf %get3A_182, %get3A_182 : vector<1024x32xf32>
    %reduce_sum3A_184 = arith.constant dense<0.000000e+00> : vector<1024xf32>
    %reduce_sum3A_185 = vector.multi_reduction <add>, %mul3A_183, %reduce_sum3A_184 [1] : vector<1024x32xf32> to vector<1024xf32>
    %broadcast_in_dim3A_186 = vector.shape_cast %reduce_sum3A_185 : vector<1024xf32> to vector<1024x1xf32>
    %convert_element_type3A_187 = arith.truncf %get3A_182 : vector<1024x32xf32> to vector<1024x32xbf16>
    %dot_general3A_188 = arith.constant dense<0.000000e+00> : vector<1024x1024xf32>
    %dot_general3A_189 = tpu.matmul %convert_element_type3A_187, %convert_element_type3A, %dot_general3A_188 {dimension_numbers = #tpu.dot_dimension_numbers<[1], [0], [0], [1], [0, 0, 1, 1], [], []>, transpose_lhs_hint = false} : vector<1024x32xbf16>, vector<32x1024xbf16>, vector<1024x1024xf32> -> vector<1024x1024xf32>
    %add3A_190 = vector.broadcast %broadcast_in_dim3A_186 : vector<1024x1xf32> to vector<1024x1024xf32>
    %add3A_191 = vector.broadcast %broadcast_in_dim3A : vector<1x1024xf32> to vector<1024x1024xf32>
    %add3A_192 = arith.addf %add3A_190, %add3A_191 : vector<1024x1024xf32>
    %mul3A_193 = arith.constant 2.000000e+00 : f32
    %mul3A_194 = vector.broadcast %mul3A_193 : f32 to vector<1024x1024xf32>
    %mul3A_195 = arith.mulf %mul3A_194, %dot_general3A_189 : vector<1024x1024xf32>
    %sub3A_196 = arith.subf %add3A_192, %mul3A_195 : vector<1024x1024xf32>
    %max3A_197 = arith.constant 0.000000e+00 : f32
    %max3A_198 = vector.broadcast %max3A_197 : f32 to vector<1024x1024xf32>
    %max3A_199 = arith.maximumf %sub3A_196, %max3A_198 : vector<1024x1024xf32>
    %eq3A_200 = arith.constant 0.000000e+00 : f32
    %eq3A_201 = vector.broadcast %eq3A_200 : f32 to vector<1024x1024xf32>
    %eq3A_202 = arith.cmpf oeq, %max3A_199, %eq3A_201 : vector<1024x1024xf32>
    %rsqrt3A_203 = math.rsqrt %max3A_199 : vector<1024x1024xf32>
    %mul3A_204 = arith.mulf %max3A_199, %rsqrt3A_203 : vector<1024x1024xf32>
    %jit3A_205 = arith.constant 0.000000e+00 : f32
    %broadcast_in_dim3A_206 = vector.broadcast %jit3A_205 : f32 to vector<1024x1024xf32>
    %select_n3A_207 = arith.select %eq3A_202, %broadcast_in_dim3A_206, %mul3A_204 : vector<1024x1024xi1>, vector<1024x1024xf32>
    %reduce_min3A_208 = arith.constant dense<0x7F800000> : vector<1024xf32>
    %reduce_min3A_209 = vector.multi_reduction <minimumf>, %select_n3A_207, %reduce_min3A_208 [0] : vector<1024x1024xf32> to vector<1024xf32>
    %broadcast_in_dim3A_210 = vector.shape_cast %reduce_min3A_209 : vector<1024xf32> to vector<1x1024xf32>
    %iota3A_211 = tpu.iota {dimensions = array<i32: 0>} : vector<1024x1024xi32>
    %add3A_212 = arith.constant 4096 : i32
    %add3A_213 = vector.broadcast %add3A_212 : i32 to vector<1024x1024xi32>
    %add3A_214 = arith.addi %iota3A_211, %add3A_213 : vector<1024x1024xi32>
    %eq3A_215 = vector.broadcast %broadcast_in_dim3A_210 : vector<1x1024xf32> to vector<1024x1024xf32>
    %eq3A_216 = arith.cmpf oeq, %select_n3A_207, %eq3A_215 : vector<1024x1024xf32>
    %jit3A_217 = arith.constant 8192 : i32
    %broadcast_in_dim3A_218 = vector.broadcast %jit3A_217 : i32 to vector<1024x1024xi32>
    %select_n3A_219 = arith.select %eq3A_216, %add3A_214, %broadcast_in_dim3A_218 : vector<1024x1024xi1>, vector<1024x1024xi32>
    %reduce_min3A_220 = arith.constant dense<2147483647> : vector<1024xi32>
    %reduce_min3A_221 = vector.multi_reduction <minsi>, %select_n3A_219, %reduce_min3A_220 [0] : vector<1024x1024xi32> to vector<1024xi32>
    %broadcast_in_dim3A_222 = vector.shape_cast %reduce_min3A_221 : vector<1024xi32> to vector<1x1024xi32>
    %lt3A_223 = arith.cmpf olt, %broadcast_in_dim3A_210, %select_n3A_178 : vector<1x1024xf32>
    %select_n3A_224 = arith.select %lt3A_223, %broadcast_in_dim3A_210, %select_n3A_178 : vector<1x1024xi1>, vector<1x1024xf32>
    %select_n3A_225 = arith.select %lt3A_223, %broadcast_in_dim3A_222, %select_n3A_179 : vector<1x1024xi1>, vector<1x1024xi32>
    %get3A_226 = arith.constant 5120 : index
    %get3A_227 = arith.constant 0 : index
    %get3A_228 = vector.load %arg2[%get3A_226, %get3A_227] : memref<8192x32xf32, #tpu.memory_space<vmem>>, vector<1024x32xf32>
    %mul3A_229 = arith.mulf %get3A_228, %get3A_228 : vector<1024x32xf32>
    %reduce_sum3A_230 = arith.constant dense<0.000000e+00> : vector<1024xf32>
    %reduce_sum3A_231 = vector.multi_reduction <add>, %mul3A_229, %reduce_sum3A_230 [1] : vector<1024x32xf32> to vector<1024xf32>
    %broadcast_in_dim3A_232 = vector.shape_cast %reduce_sum3A_231 : vector<1024xf32> to vector<1024x1xf32>
    %convert_element_type3A_233 = arith.truncf %get3A_228 : vector<1024x32xf32> to vector<1024x32xbf16>
    %dot_general3A_234 = arith.constant dense<0.000000e+00> : vector<1024x1024xf32>
    %dot_general3A_235 = tpu.matmul %convert_element_type3A_233, %convert_element_type3A, %dot_general3A_234 {dimension_numbers = #tpu.dot_dimension_numbers<[1], [0], [0], [1], [0, 0, 1, 1], [], []>, transpose_lhs_hint = false} : vector<1024x32xbf16>, vector<32x1024xbf16>, vector<1024x1024xf32> -> vector<1024x1024xf32>
    %add3A_236 = vector.broadcast %broadcast_in_dim3A_232 : vector<1024x1xf32> to vector<1024x1024xf32>
    %add3A_237 = vector.broadcast %broadcast_in_dim3A : vector<1x1024xf32> to vector<1024x1024xf32>
    %add3A_238 = arith.addf %add3A_236, %add3A_237 : vector<1024x1024xf32>
    %mul3A_239 = arith.constant 2.000000e+00 : f32
    %mul3A_240 = vector.broadcast %mul3A_239 : f32 to vector<1024x1024xf32>
    %mul3A_241 = arith.mulf %mul3A_240, %dot_general3A_235 : vector<1024x1024xf32>
    %sub3A_242 = arith.subf %add3A_238, %mul3A_241 : vector<1024x1024xf32>
    %max3A_243 = arith.constant 0.000000e+00 : f32
    %max3A_244 = vector.broadcast %max3A_243 : f32 to vector<1024x1024xf32>
    %max3A_245 = arith.maximumf %sub3A_242, %max3A_244 : vector<1024x1024xf32>
    %eq3A_246 = arith.constant 0.000000e+00 : f32
    %eq3A_247 = vector.broadcast %eq3A_246 : f32 to vector<1024x1024xf32>
    %eq3A_248 = arith.cmpf oeq, %max3A_245, %eq3A_247 : vector<1024x1024xf32>
    %rsqrt3A_249 = math.rsqrt %max3A_245 : vector<1024x1024xf32>
    %mul3A_250 = arith.mulf %max3A_245, %rsqrt3A_249 : vector<1024x1024xf32>
    %jit3A_251 = arith.constant 0.000000e+00 : f32
    %broadcast_in_dim3A_252 = vector.broadcast %jit3A_251 : f32 to vector<1024x1024xf32>
    %select_n3A_253 = arith.select %eq3A_248, %broadcast_in_dim3A_252, %mul3A_250 : vector<1024x1024xi1>, vector<1024x1024xf32>
    %reduce_min3A_254 = arith.constant dense<0x7F800000> : vector<1024xf32>
    %reduce_min3A_255 = vector.multi_reduction <minimumf>, %select_n3A_253, %reduce_min3A_254 [0] : vector<1024x1024xf32> to vector<1024xf32>
    %broadcast_in_dim3A_256 = vector.shape_cast %reduce_min3A_255 : vector<1024xf32> to vector<1x1024xf32>
    %iota3A_257 = tpu.iota {dimensions = array<i32: 0>} : vector<1024x1024xi32>
    %add3A_258 = arith.constant 5120 : i32
    %add3A_259 = vector.broadcast %add3A_258 : i32 to vector<1024x1024xi32>
    %add3A_260 = arith.addi %iota3A_257, %add3A_259 : vector<1024x1024xi32>
    %eq3A_261 = vector.broadcast %broadcast_in_dim3A_256 : vector<1x1024xf32> to vector<1024x1024xf32>
    %eq3A_262 = arith.cmpf oeq, %select_n3A_253, %eq3A_261 : vector<1024x1024xf32>
    %jit3A_263 = arith.constant 8192 : i32
    %broadcast_in_dim3A_264 = vector.broadcast %jit3A_263 : i32 to vector<1024x1024xi32>
    %select_n3A_265 = arith.select %eq3A_262, %add3A_260, %broadcast_in_dim3A_264 : vector<1024x1024xi1>, vector<1024x1024xi32>
    %reduce_min3A_266 = arith.constant dense<2147483647> : vector<1024xi32>
    %reduce_min3A_267 = vector.multi_reduction <minsi>, %select_n3A_265, %reduce_min3A_266 [0] : vector<1024x1024xi32> to vector<1024xi32>
    %broadcast_in_dim3A_268 = vector.shape_cast %reduce_min3A_267 : vector<1024xi32> to vector<1x1024xi32>
    %lt3A_269 = arith.cmpf olt, %broadcast_in_dim3A_256, %select_n3A_224 : vector<1x1024xf32>
    %select_n3A_270 = arith.select %lt3A_269, %broadcast_in_dim3A_256, %select_n3A_224 : vector<1x1024xi1>, vector<1x1024xf32>
    %select_n3A_271 = arith.select %lt3A_269, %broadcast_in_dim3A_268, %select_n3A_225 : vector<1x1024xi1>, vector<1x1024xi32>
    %get3A_272 = arith.constant 6144 : index
    %get3A_273 = arith.constant 0 : index
    %get3A_274 = vector.load %arg2[%get3A_272, %get3A_273] : memref<8192x32xf32, #tpu.memory_space<vmem>>, vector<1024x32xf32>
    %mul3A_275 = arith.mulf %get3A_274, %get3A_274 : vector<1024x32xf32>
    %reduce_sum3A_276 = arith.constant dense<0.000000e+00> : vector<1024xf32>
    %reduce_sum3A_277 = vector.multi_reduction <add>, %mul3A_275, %reduce_sum3A_276 [1] : vector<1024x32xf32> to vector<1024xf32>
    %broadcast_in_dim3A_278 = vector.shape_cast %reduce_sum3A_277 : vector<1024xf32> to vector<1024x1xf32>
    %convert_element_type3A_279 = arith.truncf %get3A_274 : vector<1024x32xf32> to vector<1024x32xbf16>
    %dot_general3A_280 = arith.constant dense<0.000000e+00> : vector<1024x1024xf32>
    %dot_general3A_281 = tpu.matmul %convert_element_type3A_279, %convert_element_type3A, %dot_general3A_280 {dimension_numbers = #tpu.dot_dimension_numbers<[1], [0], [0], [1], [0, 0, 1, 1], [], []>, transpose_lhs_hint = false} : vector<1024x32xbf16>, vector<32x1024xbf16>, vector<1024x1024xf32> -> vector<1024x1024xf32>
    %add3A_282 = vector.broadcast %broadcast_in_dim3A_278 : vector<1024x1xf32> to vector<1024x1024xf32>
    %add3A_283 = vector.broadcast %broadcast_in_dim3A : vector<1x1024xf32> to vector<1024x1024xf32>
    %add3A_284 = arith.addf %add3A_282, %add3A_283 : vector<1024x1024xf32>
    %mul3A_285 = arith.constant 2.000000e+00 : f32
    %mul3A_286 = vector.broadcast %mul3A_285 : f32 to vector<1024x1024xf32>
    %mul3A_287 = arith.mulf %mul3A_286, %dot_general3A_281 : vector<1024x1024xf32>
    %sub3A_288 = arith.subf %add3A_284, %mul3A_287 : vector<1024x1024xf32>
    %max3A_289 = arith.constant 0.000000e+00 : f32
    %max3A_290 = vector.broadcast %max3A_289 : f32 to vector<1024x1024xf32>
    %max3A_291 = arith.maximumf %sub3A_288, %max3A_290 : vector<1024x1024xf32>
    %eq3A_292 = arith.constant 0.000000e+00 : f32
    %eq3A_293 = vector.broadcast %eq3A_292 : f32 to vector<1024x1024xf32>
    %eq3A_294 = arith.cmpf oeq, %max3A_291, %eq3A_293 : vector<1024x1024xf32>
    %rsqrt3A_295 = math.rsqrt %max3A_291 : vector<1024x1024xf32>
    %mul3A_296 = arith.mulf %max3A_291, %rsqrt3A_295 : vector<1024x1024xf32>
    %jit3A_297 = arith.constant 0.000000e+00 : f32
    %broadcast_in_dim3A_298 = vector.broadcast %jit3A_297 : f32 to vector<1024x1024xf32>
    %select_n3A_299 = arith.select %eq3A_294, %broadcast_in_dim3A_298, %mul3A_296 : vector<1024x1024xi1>, vector<1024x1024xf32>
    %reduce_min3A_300 = arith.constant dense<0x7F800000> : vector<1024xf32>
    %reduce_min3A_301 = vector.multi_reduction <minimumf>, %select_n3A_299, %reduce_min3A_300 [0] : vector<1024x1024xf32> to vector<1024xf32>
    %broadcast_in_dim3A_302 = vector.shape_cast %reduce_min3A_301 : vector<1024xf32> to vector<1x1024xf32>
    %iota3A_303 = tpu.iota {dimensions = array<i32: 0>} : vector<1024x1024xi32>
    %add3A_304 = arith.constant 6144 : i32
    %add3A_305 = vector.broadcast %add3A_304 : i32 to vector<1024x1024xi32>
    %add3A_306 = arith.addi %iota3A_303, %add3A_305 : vector<1024x1024xi32>
    %eq3A_307 = vector.broadcast %broadcast_in_dim3A_302 : vector<1x1024xf32> to vector<1024x1024xf32>
    %eq3A_308 = arith.cmpf oeq, %select_n3A_299, %eq3A_307 : vector<1024x1024xf32>
    %jit3A_309 = arith.constant 8192 : i32
    %broadcast_in_dim3A_310 = vector.broadcast %jit3A_309 : i32 to vector<1024x1024xi32>
    %select_n3A_311 = arith.select %eq3A_308, %add3A_306, %broadcast_in_dim3A_310 : vector<1024x1024xi1>, vector<1024x1024xi32>
    %reduce_min3A_312 = arith.constant dense<2147483647> : vector<1024xi32>
    %reduce_min3A_313 = vector.multi_reduction <minsi>, %select_n3A_311, %reduce_min3A_312 [0] : vector<1024x1024xi32> to vector<1024xi32>
    %broadcast_in_dim3A_314 = vector.shape_cast %reduce_min3A_313 : vector<1024xi32> to vector<1x1024xi32>
    %lt3A_315 = arith.cmpf olt, %broadcast_in_dim3A_302, %select_n3A_270 : vector<1x1024xf32>
    %select_n3A_316 = arith.select %lt3A_315, %broadcast_in_dim3A_302, %select_n3A_270 : vector<1x1024xi1>, vector<1x1024xf32>
    %select_n3A_317 = arith.select %lt3A_315, %broadcast_in_dim3A_314, %select_n3A_271 : vector<1x1024xi1>, vector<1x1024xi32>
    %get3A_318 = arith.constant 7168 : index
    %get3A_319 = arith.constant 0 : index
    %get3A_320 = vector.load %arg2[%get3A_318, %get3A_319] : memref<8192x32xf32, #tpu.memory_space<vmem>>, vector<1024x32xf32>
    %mul3A_321 = arith.mulf %get3A_320, %get3A_320 : vector<1024x32xf32>
    %reduce_sum3A_322 = arith.constant dense<0.000000e+00> : vector<1024xf32>
    %reduce_sum3A_323 = vector.multi_reduction <add>, %mul3A_321, %reduce_sum3A_322 [1] : vector<1024x32xf32> to vector<1024xf32>
    %broadcast_in_dim3A_324 = vector.shape_cast %reduce_sum3A_323 : vector<1024xf32> to vector<1024x1xf32>
    %convert_element_type3A_325 = arith.truncf %get3A_320 : vector<1024x32xf32> to vector<1024x32xbf16>
    %dot_general3A_326 = arith.constant dense<0.000000e+00> : vector<1024x1024xf32>
    %dot_general3A_327 = tpu.matmul %convert_element_type3A_325, %convert_element_type3A, %dot_general3A_326 {dimension_numbers = #tpu.dot_dimension_numbers<[1], [0], [0], [1], [0, 0, 1, 1], [], []>, transpose_lhs_hint = false} : vector<1024x32xbf16>, vector<32x1024xbf16>, vector<1024x1024xf32> -> vector<1024x1024xf32>
    %add3A_328 = vector.broadcast %broadcast_in_dim3A_324 : vector<1024x1xf32> to vector<1024x1024xf32>
    %add3A_329 = vector.broadcast %broadcast_in_dim3A : vector<1x1024xf32> to vector<1024x1024xf32>
    %add3A_330 = arith.addf %add3A_328, %add3A_329 : vector<1024x1024xf32>
    %mul3A_331 = arith.constant 2.000000e+00 : f32
    %mul3A_332 = vector.broadcast %mul3A_331 : f32 to vector<1024x1024xf32>
    %mul3A_333 = arith.mulf %mul3A_332, %dot_general3A_327 : vector<1024x1024xf32>
    %sub3A_334 = arith.subf %add3A_330, %mul3A_333 : vector<1024x1024xf32>
    %max3A_335 = arith.constant 0.000000e+00 : f32
    %max3A_336 = vector.broadcast %max3A_335 : f32 to vector<1024x1024xf32>
    %max3A_337 = arith.maximumf %sub3A_334, %max3A_336 : vector<1024x1024xf32>
    %eq3A_338 = arith.constant 0.000000e+00 : f32
    %eq3A_339 = vector.broadcast %eq3A_338 : f32 to vector<1024x1024xf32>
    %eq3A_340 = arith.cmpf oeq, %max3A_337, %eq3A_339 : vector<1024x1024xf32>
    %rsqrt3A_341 = math.rsqrt %max3A_337 : vector<1024x1024xf32>
    %mul3A_342 = arith.mulf %max3A_337, %rsqrt3A_341 : vector<1024x1024xf32>
    %jit3A_343 = arith.constant 0.000000e+00 : f32
    %broadcast_in_dim3A_344 = vector.broadcast %jit3A_343 : f32 to vector<1024x1024xf32>
    %select_n3A_345 = arith.select %eq3A_340, %broadcast_in_dim3A_344, %mul3A_342 : vector<1024x1024xi1>, vector<1024x1024xf32>
    %reduce_min3A_346 = arith.constant dense<0x7F800000> : vector<1024xf32>
    %reduce_min3A_347 = vector.multi_reduction <minimumf>, %select_n3A_345, %reduce_min3A_346 [0] : vector<1024x1024xf32> to vector<1024xf32>
    %broadcast_in_dim3A_348 = vector.shape_cast %reduce_min3A_347 : vector<1024xf32> to vector<1x1024xf32>
    %iota3A_349 = tpu.iota {dimensions = array<i32: 0>} : vector<1024x1024xi32>
    %add3A_350 = arith.constant 7168 : i32
    %add3A_351 = vector.broadcast %add3A_350 : i32 to vector<1024x1024xi32>
    %add3A_352 = arith.addi %iota3A_349, %add3A_351 : vector<1024x1024xi32>
    %eq3A_353 = vector.broadcast %broadcast_in_dim3A_348 : vector<1x1024xf32> to vector<1024x1024xf32>
    %eq3A_354 = arith.cmpf oeq, %select_n3A_345, %eq3A_353 : vector<1024x1024xf32>
    %jit3A_355 = arith.constant 8192 : i32
    %broadcast_in_dim3A_356 = vector.broadcast %jit3A_355 : i32 to vector<1024x1024xi32>
    %select_n3A_357 = arith.select %eq3A_354, %add3A_352, %broadcast_in_dim3A_356 : vector<1024x1024xi1>, vector<1024x1024xi32>
    %reduce_min3A_358 = arith.constant dense<2147483647> : vector<1024xi32>
    %reduce_min3A_359 = vector.multi_reduction <minsi>, %select_n3A_357, %reduce_min3A_358 [0] : vector<1024x1024xi32> to vector<1024xi32>
    %broadcast_in_dim3A_360 = vector.shape_cast %reduce_min3A_359 : vector<1024xi32> to vector<1x1024xi32>
    %lt3A_361 = arith.cmpf olt, %broadcast_in_dim3A_348, %select_n3A_316 : vector<1x1024xf32>
    %select_n3A_362 = arith.select %lt3A_361, %broadcast_in_dim3A_360, %select_n3A_317 : vector<1x1024xi1>, vector<1x1024xi32>
    %swap3A = arith.constant 0 : index
    %swap3A_363 = arith.constant 0 : index
    %swap3A_364 = arith.constant 0 : index
    %swap3A_365 = vector.load %arg3[%swap3A, %swap3A_363, %swap3A_364] : memref<1x1x1024xi32, #tpu.memory_space<vmem>>, vector<1x1x1024xi32>
    %swap3A_366 = vector.shape_cast %swap3A_365 : vector<1x1x1024xi32> to vector<1x1024xi32>
    %swap3A_367 = vector.shape_cast %select_n3A_362 : vector<1x1024xi32> to vector<1x1x1024xi32>
    tpu.vector_store %arg3[%swap3A, %swap3A_363, %swap3A_364], %swap3A_367 {strides = array<i32>} : memref<1x1x1024xi32, #tpu.memory_space<vmem>>, vector<1x1x1024xi32>,
    return
  }
  func.func @transform_0(%arg0: i32) -> (i32, i32) {
    %c0_i32 = arith.constant 0 : i32
    %c0_i32_0 = arith.constant 0 : i32
    return %c0_i32, %arg0 : i32, i32
  }
  func.func @transform_1(%arg0: i32) -> (i32, i32) {
    %c0_i32 = arith.constant 0 : i32
    %c0_i32_0 = arith.constant 0 : i32
    %c0_i32_1 = arith.constant 0 : i32
    return %c0_i32, %c0_i32_0 : i32, i32
  }
  func.func @transform_2(%arg0: i32) -> (i32, i32, i32) {
    %c0_i32 = arith.constant 0 : i32
    %c0_i32_0 = arith.constant 0 : i32
    %c0_i32_1 = arith.constant 0 : i32
    return %arg0, %c0_i32, %c0_i32_0 : i32, i32, i32
  }
}

</mosaic_0001>

<sc_bundles>
// kernel: kernel.4.cloned.1.call-start
scs
__scs_entry_jumppad:
0x0: {  	(pc) =	sbr.rel $0x88, $3  }
0x1: {  	(tag) =	ssettag $0x0;
	lr =	simm.s32 $0x1  }
0x2: {  	[smem:$0x3F9F] =	sst lr;
	_ =	strace $0xD0000000  }
0x3: {  	_ = 	snop  }
0x4: {  	_ = 	snop  }
0x5: {  	_ = 	snop  }
0x6: {  	_ = 	snop  }
0x7: {  	_ = 	snop  }
__scs_overlays_trampoline_lowered:
0x8: {  	[smem:$0x3FAE] =	sst s0  }
0x9: {  	[smem:$0x3FAF] =	sst s1  }
0xa: {  	[smem:$0x3FB0] =	sst s2  }
0xb: {  	[smem:$0x3FB1] =	sst s3  }
0xc: {  	[smem:$0x3FB2] =	sst s4  }
0xd: {  	[smem:$0x3FB3] =	sst s5  }
0xe: {  	[smem:$0x3FB4] =	sst s6  }
0xf: {  	[smem:$0x3FB5] =	sst s7  }
0x10: {  	[smem:$0x3FB6] =	sst s8  }
0x11: {  	[smem:$0x3FB7] =	sst s9;
	s0 =	simm.s32 @!p0 $0x0  }
0x12: {  	s1 =	sld [smem:$0x3F9D];
	s0 =	simm.s32 @p0 $0x1  }
0x13: {  	[smem:$0x3FB8] =	sst s0;
	s0 =	simm.s32 @!p1 $0x0  }
0x14: {  	s2 =	sld [smem:$0x3F9C];
	s0 =	simm.s32 @p1 $0x1  }
0x15: {  	[smem:$0x3FB9] =	sst s0;
	s0 =	simm.s32 @!p2 $0x0  }
0x16: {  	s3 =	sld [smem:$0x3FDB];
	s0 =	simm.s32 @p2 $0x1  }
0x17: {  	s4 =	simm.s32 $0x1BF5;
	[smem:$0x3FBB] =	sst s0  }
0x18: {  	s0 =	sld [smem:$0x3F9E];
	_ =	swait.ge [sflag:s4], $0x0  }
0x19: {  	s7 =	sld [smem:$0x3F9F]  }
0x1a: {  	s8 =	sadd.s32 $0xFFFFE003, lr  }
0x1b: {  	s9 =	sadd.s32 $0xFFFFFEF7, lr;
	s5 =	simm.s32 $0xFFFFFFFF;
	p2 =	slt.u32 s8, $0xFFFFF086  }
0x1c: {  	p1 =	slt.u32 s9, $0xF7A;
	s5 =	simm.s32 @!p2 $0x0  }
0x1d: {  	s5 =	simm.s32 @p1 $0x1;
	p0 =	seq.s32 s7, s2  }
0x1e: {  	s7 =	smul.u32 @!p0 $0xF7A, s2;
	p2 =	seq.s32 @!p0 s5, $0x0  }
0x1f: {  	s9 =	smul.u32 $0xF7A, s1;
	s8 =	simm.s32 @!p0 $0x1BF5;
	p2 =	por !p2, p0  }
0x20: {  	[sflag:s8] =	ssyncset.s32 @!p0 $0xFFFFF086;
	s6 =	sadd.s32 @!p0 s3, s7;
	s7 =	simm.s32 @!p0 $0x108  }
0x21: {  	s3 =	sadd.s32 s3, s9;
	s6 =	sadd.s32 @!p0 $0x88, s6;
	s7 =	simm.s32 @p2 $0x1082  }
0x22: {  	[simem:s7], [sflag:s8] =	dma.local @!p0 [hbm:s6], $0xF7A  }
0x23: {  	s9 =	sor.u32 $0xD0000000, s2;
	s6 =	simm.s32 $0x108;
	_ =	swait.ge @!p0 [sflag:s8], $0x0  }
0x24: {  	s3 =	sadd.s32 $0x88, s3;
	s6 =	simm.s32 @!p1 $0x1082;
	[sflag:s4] =	ssyncset.s32 $0xFFFFF086  }
0x25: {  	[simem:s6], [sflag:s4] =	dma.local [hbm:s3], $0xF7A  }
0x26: {  	[smem:$0x3F9F] =	sst s1;
	(tag) =	ssettag s2;
	_ =	strace s9  }
0x27: {  	s1 =	sld [smem:$0x3FAF]  }
0x28: {  	s2 =	sld [smem:$0x3FB0]  }
0x29: {  	s4 =	sld [smem:$0x3FB2]  }
0x2a: {  	p0 =	seq.s32 s5, $0x0;
	s5 =	sld [smem:$0x3FB3]  }
0x2b: {  	s6 =	sld [smem:$0x3FB4]  }
0x2c: {  	s7 =	sld [smem:$0x3FB5]  }
0x2d: {  	s3 =	simm.s32 $0x108;
	s8 =	sld [smem:$0x3FB6]  }
0x2e: {  	s3 =	simm.s32 @!p0 $0x1082;
	s9 =	sld [smem:$0x3FB7]  }
0x2f: {  	lr =	sadd.s32 s0, s3;
	s0 =	sld [smem:$0x3FAE]  }
0x30: {  	s3 =	sld [smem:$0x3FB1]  }
0x31: {  	[smem:$0x3FBA] =	sst s10  }
0x32: {  	s10 =	sld [smem:$0x3FB8];
	_ =	sdelay $0x3  }
0x33: {  	p0 =	seq.s32 s10, $0x1;
	s10 =	sld [smem:$0x3FBA];
	_ =	sdelay $0x3  }
0x34: {  	[smem:$0x3FBA] =	sst s10  }
0x35: {  	s10 =	sld [smem:$0x3FB9];
	_ =	sdelay $0x3  }
0x36: {  	p1 =	seq.s32 s10, $0x1;
	s10 =	sld [smem:$0x3FBA];
	_ =	sdelay $0x3  }
0x37: {  	[smem:$0x3FBA] =	sst s10  }
0x38: {  	s10 =	sld [smem:$0x3FBB]  }
0x39: {  	_ = 	snop;
	(pc) =	sbr.ind lr, $3  }
0x3a: {  	_ = 	snop  }
0x3b: {  	_ = 	snop  }
0x3c: {  	p2 =	seq.s32 s10, $0x1;
	s10 =	sld [smem:$0x3FBA]  }
0x3d: {  	_ =	shalt  }
0x3e: {  	_ =	shalt  }
0x3f: {  	_ =	shalt  }
0x40: {  	_ =	shalt  }
0x41: {  	_ =	shalt  }
0x42: {  	_ =	shalt  }
0x43: {  	_ =	shalt  }
0x44: {  	_ =	shalt  }
0x45: {  	_ =	shalt  }
0x46: {  	_ =	shalt  }
0x47: {  	_ =	shalt  }
0x48: {  	_ =	shalt  }
0x49: {  	_ =	shalt  }
0x4a: {  	_ =	shalt  }
0x4b: {  	_ =	shalt  }
0x4c: {  	_ =	shalt  }
0x4d: {  	_ =	shalt  }
0x4e: {  	_ =	shalt  }
0x4f: {  	_ =	shalt  }
0x50: {  	_ =	shalt  }
0x51: {  	_ =	shalt  }
0x52: {  	_ =	shalt  }
0x53: {  	_ =	shalt  }
0x54: {  	_ =	shalt  }
0x55: {  	_ =	shalt  }
0x56: {  	_ =	shalt  }
0x57: {  	_ =	shalt  }
0x58: {  	_ =	shalt  }
0x59: {  	_ =	shalt  }
0x5a: {  	_ =	shalt  }
0x5b: {  	_ =	shalt  }
0x5c: {  	_ =	shalt  }
0x5d: {  	_ =	shalt  }
0x5e: {  	_ =	shalt  }
0x5f: {  	_ =	shalt  }
0x60: {  	_ =	shalt  }
0x61: {  	_ =	shalt  }
0x62: {  	_ =	shalt  }
0x63: {  	_ =	shalt  }
0x64: {  	_ =	shalt  }
0x65: {  	_ =	shalt  }
0x66: {  	_ =	shalt  }
0x67: {  	_ =	shalt  }
0x68: {  	_ =	shalt  }
0x69: {  	_ =	shalt  }
0x6a: {  	_ =	shalt  }
0x6b: {  	_ =	shalt  }
0x6c: {  	_ =	shalt  }
0x6d: {  	_ =	shalt  }
0x6e: {  	_ =	shalt  }
0x6f: {  	_ =	shalt  }
0x70: {  	_ =	shalt  }
0x71: {  	_ =	shalt  }
0x72: {  	_ =	shalt  }
0x73: {  	_ =	shalt  }
0x74: {  	_ =	shalt  }
0x75: {  	_ =	shalt  }
0x76: {  	_ =	shalt  }
0x77: {  	_ =	shalt  }
0x78: {  	_ =	shalt  }
0x79: {  	_ =	shalt  }
0x7a: {  	_ =	shalt  }
0x7b: {  	_ =	shalt  }
0x7c: {  	_ =	shalt  }
0x7d: {  	_ =	shalt  }
0x7e: {  	_ =	shalt  }
0x7f: {  	_ =	shalt  }
0x80: {  	_ =	shalt  }
0x81: {  	_ =	shalt  }
0x82: {  	_ =	shalt  }
0x83: {  	_ =	shalt  }
0x84: {  	_ =	shalt  }
0x85: {  	_ =	shalt  }
0x86: {  	_ =	shalt  }
0x87: {  	_ =	shalt  }
.Lfunc_end0:
.L_simem_size_0:
called_computation_lowered:
.L_overlay_start_0:
0x88: {  	s2 =	sld [smem:$0x3FD9]  }
0x89: {  	s3 =	sld [smem:$0x3FFE];
	_ =	sdelay $0x1  }
0x8a: {  	s1 =	srdreg.scid  }
0x8b: {  	s0 =	sand.u32 $0x1, s1  }
0x8c: {  	s14 =	sshll.u32 s0, $0xA;
	s2 =	sadd.s32 s3, s2  }
0x8d: {  	s2 =	sadd.s32 s2, s14  }
0x8e: {  	[smem:$0x3FC6] =	sst s2  }
0x8f: {  	_ = 	snop  }
0x90: {  	s2 =	sld [smem:$0x3FD0];
	_ =	sdelay $0x2  }
0x91: {  	s15 =	simm.s32 $0xA;
	s4 =	simm.s32 $0x10  }
0x92: {  	[smem:s4], [sflag:s15] =	dma.local [hbm:s2], $0x1  }
0x93: {  	_ =	swait.eq [sflag:s15], $0x1  }
0x94: {  	[sflag:s15] =	ssyncset.done $0x0  }
0x95: {  	[sflag:s15] =	ssyncadd.s32 $0xFFFFFFFF  }
0x96: {  	s16 =	sld [smem:$0x10];
	(tm) =	ssettm $0x1  }
0x97: {  	s17 =	sld [smem:$0x3FFB];
	_ =	sdelay $0x3  }
0x98: {  	_ =	strace s17  }
0x99: {  	s3 =	sld [smem:$0x3FFC];
	_ =	sdelay $0x3  }
0x9a: {  	_ =	strace s3  }
0x9b: {  	s3 =	sld [smem:$0x3FFD];
	_ =	sdelay $0x3  }
0x9c: {  	_ =	strace s3  }
0x9d: {  	_ =	strace $0x8FFFFFFF  }
0x9e: {  	s18 =	sld [smem:$0x3FDB];
	_ =	sdelay $0x1  }
0x9f: {  	s19 =	simm.s32 $_scs_section_size  }
0xa0: {  	s5 =	simm.s32 $_size__tile_overlayer_lowered;
	s6 =	simm.s32 $_tile_overlayer_lowered  }
0xa1: {  	s22 =	simm.s32 $0x1BFF;
	s21 =	sshll.u32 s6, $0x1;
	s3 =	sadd.s32 s19, s18  }
0xa2: {  	s7 =	simm.s32 $0x0;
	s20 =	sshll.u32 s5, $0x1;
	s5 =	sadd.s32 s21, s3  }
0xa3: {  	[timem:s7], [sflag:s22] =	dma.local [hbm:s5], s20  }
0xa4: {  	_ =	swait.ge [sflag:s22], s20  }
0xa5: {  	s4 =	ssub.s32 $0x0, s20;
	[sflag:s22] =	ssyncset.done $0x0  }
0xa6: {  	[sflag:s22] =	ssyncadd.s32 s4;
	_ =	sdelay $0x1  }
0xa7: {  	s23 =	simm.s32 $0x1B8B  }
0xa8: {  	_ =	swait.ge [sflag:s23], $0x1  }
0xa9: {  	[sflag:s23] =	ssyncset.done $0x0  }
0xaa: {  	s25 =	simm.s32 $0x1B8E;
	s24 =	sld [smem:$0x3FFE];
	[sflag:s23] =	ssyncadd.s32 $0xFFFFFFFF  }
0xab: {  	s26 =	simm.s32 $execute0_lowered;
	[smem:$0x3FD2] =	sst s25  }
0xac: {  	s5 =	sshll.u32 s26, $0x1;
	_ =	strace $0x80000046;
	[dreg:$0x1] =	wrdreg $0xFFFFFFFF  }
0xad: {  	s28 =	simm.s32 $_size_execute0_lowered;
	s3 =	sadd.s32 s3, s5;
	[dreg:$0x0] =	wrdreg $0x0  }
0xae: {  	s5 =	sshll.u32 s28, $0x1;
	[dreg:$0x2] =	wrdreg s3  }
0xaf: {  	[dreg:$0x3] =	wrdreg s5  }
0xb0: {  	[dreg:$0x4] =	wrdreg $0xC0  }
0xb1: {  	_ =	task [dreg:s7], $0x5FFFF  }
0xb2: {  	[dreg:$0x1] =	wrdreg $0xFFFFFFFF  }
0xb3: {  	[dreg:$0x0] =	wrdreg $0x60  }
0xb4: {  	[dreg:$0x2] =	wrdreg s16  }
0xb5: {  	[dreg:$0x3] =	wrdreg s24  }
0xb6: {  	[dreg:$0x4] =	wrdreg $0x9  }
0xb7: {  	_ =	task.clear_ibuf [dreg:s7], $0x5FFFF;
	_ =	strace $0x90000046  }
0xb8: {  	s29 =	simm.s32 $0x9;
	_ =	strace $0x80000048  }
0xb9: {  	_ =	swait.ge [sflag:s29], $0x1  }
0xba: {  	[sflag:s29] =	ssyncadd.s32 $0xFFFFFFFF  }
0xbb: {  	_ =	strace $0x90000048  }
0xbc: {  	_ =	sfence  }
0xbd: {  	s30 =	sld [smem:$0x0];
	_ =	sdelay $0x2  }
0xbe: {  	s31 =	sshll.u32 s1, $0xD;
	s1 =	sshrl.u32 s1, $0x2  }
0xbf: {  	s3 =	sand.u32 $0x4000, s31;
	s1 =	sadd.s32 s1, s30  }
0xc0: {  	s0 =	sor.u32 s3, s0;
	s1 =	sshll.u32 s1, $0x11  }
0xc1: {  	s0 =	sor.u32 s1, s0  }
0xc2: {  	s0 =	sadd.s32 $0x8F2B, s0  }
0xc3: {  	[sflag:s0] =	ssyncadd.remote.s32 $0x1  }
0xc4: {  	_ =	sfence.sel $0xFFFF  }
0xc5: {  	[dreg:$0x0] =	wrdreg $0xFFFFFFFF;
	(pc) =	sbr.abs _section_cstart, $3  }
0xc6: {  	[dreg:$0x1] =	wrdreg $0xFFFFFFFF  }
0xc7: {  	_ =	task.clear_ibuf [dreg:s7], $0x2FFFF;
	_ =	strace $0x9FFFFFFF  }
0xc8: {  	(tm) =	ssettm $0x7FFFFFFF  }
0xc9: {  	_ =	shalt  }
tec
execute0_lowered:
.L_overlay_start_1:
0x0: {  	(tag) =	ssettag $0x1  }
0x1: {  	s2 =	rddreg [dreg:$0x0];
	s1 =	srdreg.scid  }
0x2: {  	s0 =	stileid.u32;
	s4 =	rddreg [dreg:$0x1]  }
0x3: {  	s3 =	simm.s32 $0x0;
	s11 =	simm.s32 $0x1;
	s12 =	simm.s32 $0x2100  }
0x4: {  	s13 =	simm.s32 $0x4100;
	s5 =	sand.u32 $0x1, s1;
	s1 =	rddreg [dreg:$0x2]  }
0x5: {  	s14 =	simm.s32 $0x0;
	s6 =	sshll.u32 s0, $0x1;
	[smem:$0x7FF] =	sst s3  }
0x6: {  	s6 =	sor.u32 s5, s6;
	_ =	strace $0x80000047;
	s5 =	ssub.s32 $0x2, s5  }
0x7: {  	s7 =	sshll.u32 s6, $0x5;
	s8 =	sshll.u32 s6, $0xA;
	s6 =	sshll.u32 s6, $0x1  }
0x8: {  	s31 =	sshrl.u32 s5, $0x1;
	s7 =	sadd.s32 s7, s4;
	s8 =	sadd.s32 s8, s4  }
0x9: {  	s9 =	sadd.s32 s6, s4;
	s10 =	ssub.s32 s5, s31;
	s4 =	sadd.s32 $0xA00, s7  }
0xa: {  	s5 =	sadd.s32 $0xE00, s8;
	s6 =	sadd.s32 $0x9000, s8;
	s7 =	sadd.s32 $0x8E00, s9  }
0xb: {  	s8 =	smax.u32 s10, $0x1;
	s9 =	simm.s32 $0x2;
	s10 =	simm.s32 $0x100  }
.LBB2_1:
0xc: {  	[tilespmem:s3], [sflag:$0x2] =	stream.linear.gather [hbm4b:s4+s3], $0x100, $0x38;
	[tilespmem:$0x4110] =	vst v63  }
0xd: {  	_ =	swait.ge [sflag:s9], $0x100  }
0xe: {  	[sflag:s9] =	ssyncset.done $0x0  }
0xf: {  	[sflag:s9] =	ssyncadd.s32 $0xFFFFFF00  }
0x10: {  	[tilespmem:s10], [sflag:$0x1] =	stream.indirect.gather [hbm4b:s2+s10], $0x20, s3, s10, $0xb8;
	[tilespmem:$0x4110] =	vst v63  }
0x11: {  	_ =	swait.ge [sflag:s11], $0x2000  }
0x12: {  	[sflag:s11] =	ssyncset.done $0x0  }
0x13: {  	[sflag:s11] =	ssyncadd.s32 $0xFFFFE000  }
0x14: {  	[tilespmem:s12], [sflag:$0x2] =	stream.linear.gather [hbm4b:s5+s3], $0x2000, $0x38;
	[tilespmem:$0x4110] =	vst v63  }
0x15: {  	_ =	swait.ge [sflag:s9], $0x2000  }
0x16: {  	[sflag:s9] =	ssyncset.done $0x0  }
0x17: {  	s15 =	simm.s32 $0x0;
	[sflag:s9] =	ssyncadd.s32 $0xFFFFE000  }
0x18: {  	v0 =	vld [tilespmem:s15+$0x2100]  }
0x19: {  	v1 =	vld [tilespmem:s15+$0x100]  }
0x1a: {  	v3 =	vld [tilespmem:s15+$0x2110]  }
0x1b: {  	v4 =	vld [tilespmem:s15+$0x110];
	_ =	sdelay $0x1  }
0x1c: {  	s16 =	simm.s32 $0x20  }
0x1d: {  	v2 =	vld [tilespmem:s16+$0x100];
	v1 =	vsub.f32 v0, v1  }
0x1e: {  	v0 =	vld [tilespmem:s16+$0x2100]  }
0x1f: {  	v5 =	vsub.f32 v3, v4;
	v3 =	vld [tilespmem:s16+$0x110];
	v4 =	vmul.f32 v1, v1  }
0x20: {  	v6 =	vimm.f32 $0.0e+00;
	v1 =	vld [tilespmem:s16+$0x2110]  }
0x21: {  	s15 =	simm.s32 $0x100;
	v5 =	vmul.f32 v5, v5;
	v4 =	vadd.f32 v4, v6  }
.LBB2_2:
0x22: {  	s16 =	sshra.s32 s15, $0x2;
	p0 =	sne.s32 s15, $0x7F80  }
.Ltmp0:
0x23: {  	s15 =	sadd.s32 $0x80, s15;
	v6 =	vsub.f32 v0, v2;
	v0 =	vld [tilespmem:s16+$0x2100];
	v4 =	vadd.f32 v5, v4;
	(pc) =	sbr.rel @p0 .LBB2_2-.Ltmp0, $4  }
0x24: {  	v2 =	vld [tilespmem:s16+$0x100]  }
0x25: {  	v5 =	vsub.f32 v1, v3;
	v1 =	vld [tilespmem:s16+$0x2110];
	v6 =	vmul.f32 v6, v6  }
0x26: {  	v3 =	vld [tilespmem:s16+$0x110]  }
0x27: {  	v4 =	vadd.f32 v6, v4;
	v5 =	vmul.f32 v5, v5  }
0x28: {  	_ = 	snop  }
0x29: {  	v0 =	vsub.f32 v0, v2;
	_ =	sdelay $0x1  }
0x2a: {  	v63 =	vadd.f32 v5, v4;
	v1 =	vsub.f32 v1, v3;
	v0 =	vmul.f32 v0, v0;
	_ =	sdelay $0x1  }
0x2b: {  	v0 =	vadd.f32 v0, v63;
	v1 =	vmul.f32 v1, v1;
	_ =	sdelay $0x1  }
0x2c: {  	v0 =	vadd.f32 v1, v0;
	_ =	sdelay $0x1  }
0x2d: {  	[tilespmem:$0x4100] =	vst v0  }
0x2e: {  	[hbm4b:s6+s3] =	stream.linear.scatter [tilespmem:s10], [sflag:$0x2], $0x2000, $0x38;
	[tilespmem:$0x4110] =	vst v63  }
0x2f: {  	s14 =	sadd.s32 $0x1, s14;
	_ =	swait.ge [sflag:s9], $0x2000  }
0x30: {  	p0 =	sne.s32 s14, s8;
	[sflag:s9] =	ssyncset.done $0x0  }
.Ltmp1:
0x31: {  	[sflag:s9] =	ssyncadd.s32 $0xFFFFE000;
	(pc) =	sbr.rel @p0 .LBB2_1-.Ltmp1, $4  }
0x32: {  	[hbm4b:s7+s3] =	stream.linear.scatter [tilespmem:s13], [sflag:$0x2], $0x10, $0x38;
	[tilespmem:$0x4110] =	vst v63  }
0x33: {  	_ =	swait.ge [sflag:s9], $0x10  }
0x34: {  	[sflag:s9] =	ssyncset.done $0x0  }
0x35: {  	[sflag:s9] =	ssyncadd.s32 $0xFFFFFFF0  }
0x36: {  	_ =	sfence.sel $0x180000  }
0x37: {  	[bflag:$0x0] =	sbarrier.arrive $0xFFFF  }
0x38: {  	p0 =	sne.s32 s0, $0x0;
	_ =	strace $0x90000047  }
0x39: {  	s0 =	sadd.s32 @!p0 $0x100000, s1;
	[bflag:$0x2] =	sbarrier.arrive $0xFFFF  }
0x3a: {  	[sflag:s0] =	ssyncadd.tile.s32 @!p0 $0x1;
	_ =	shalt  }
.Lfunc_end2:
_tile_overlayer_lowered:
.L_overlay_start_2:
0x3b: {  	(tag) =	ssettag $0x2  }
0x3c: {  	s0 =	rddreg [dreg:$0x0];
	s2 =	stileid.u32  }
0x3d: {  	s1 =	rddreg [dreg:$0x1];
	p0 =	sne.s32 s2, $0x0  }
0x3e: {  	s3 =	rddreg [dreg:$0x2];
	[bflag:$0x3] =	sbarrier.arrive $0xFFFF;
	s2 =	simm.s32 @!p0 $0x1C02  }
0x3f: {  	[timem:s3], [sflag:s2] =	dma.local @!p0 [hbm:s0], s1  }
0x40: {  	s0 =	simm.s32 @!p0 $0x2  }
0x41: {  	_ =	swait.ge @!p0 [sflag:s0], s1  }
0x42: {  	s1 =	ssub.s32 @!p0 $0x0, s1;
	[sflag:s0] =	ssyncset.done @!p0 $0x0  }
0x43: {  	[sflag:s0] =	ssyncadd.s32 @!p0 s1  }
0x44: {  	[bflag:$0x3] =	sbarrier.arrive $0xFFFF  }
0x45: {  	_ =	shalt  }

</sc_bundles>
